<compile_context>
chip_gen: v7x
topology: tpu7x:2x2x1
jax: 0.10.2.dev20260603
libtpu: 0.0.44.dev20260713+nightly
codegen_flags: <defaults>
</compile_context>

<pallas_src>
import functools

import jax
import jax.numpy as jnp
from jax import lax
from jax.experimental import pallas as pl
from jax.experimental.pallas import tpu as pltpu
from jax.experimental.pallas import tpu_sc as plsc

_EMB = 300
_LANES = 16
_TILE = 128
_NCHUNK = _EMB // _LANES
_TAIL_OFF = _EMB - _LANES
_BATCH = 25
_SEQ = 200
_IW_OFF = 128
_IW_LEN = _SEQ - _IW_OFF


def _sc_body(tt_hbm, iw_hbm, w_hbm, b_hbm, out_hbm,
             iw_v, blk_v, w_v, b_v, out_v, sem, wsem):
    ns = plsc.get_sparse_core_info().num_subcores
    cid = lax.axis_index("c")
    sid = lax.axis_index("s")
    wid = cid * ns + sid

    @pl.when(wid < _BATCH)
    def _():
        pltpu.sync_copy(iw_hbm.at[wid], iw_v)
        row = iw_v[pl.ds(_SEQ - _LANES, _LANES)][_LANES - 1]
        base = pl.multiple_of((row // _TILE) * _TILE, _TILE)
        off = row - base
        blk_cp = pltpu.async_copy(tt_hbm.at[:, pl.ds(base, _TILE)], blk_v, sem)
        pltpu.async_copy(w_hbm.at[0], w_v, wsem).wait()
        pltpu.sync_copy(b_hbm, b_v.at[pl.ds(0, 1)])
        blk_cp.wait()
        col = jnp.full((_LANES,), off, jnp.int32)
        lanes = lax.iota(jnp.int32, _LANES)
        acc = jnp.zeros((_LANES,), jnp.float32)
        for j in range(_NCHUNK):
            vals = plsc.load_gather(blk_v, [lanes + (j * _LANES), col])
            acc = acc + vals * w_v[pl.ds(j * _LANES, _LANES)]
        tail = plsc.load_gather(blk_v, [lanes + _TAIL_OFF, col])
        tail_w = jnp.where(lanes >= _NCHUNK * _LANES - _TAIL_OFF,
                           w_v[pl.ds(_TAIL_OFF, _LANES)],
                           jnp.zeros((_LANES,), jnp.float32))
        acc = acc + tail * tail_w
        dnums = lax.GatherDimensionNumbers(
            offset_dims=(), collapsed_slice_dims=(0,), start_index_map=(0,))
        for sh in (8, 4, 2, 1):
            perm = lanes ^ sh
            acc = acc + lax.gather(
                acc, perm[:, None], dnums, slice_sizes=(1,),
                mode=lax.GatherScatterMode.PROMISE_IN_BOUNDS)
        bias = b_v[pl.ds(0, _LANES)][0]
        out_v[...] = 1.0 / (1.0 + jnp.exp(-(acc + bias)))
        pltpu.sync_copy(out_v, out_hbm.at[wid])


def kernel(input_words, table, fc_w, fc_b):
    mesh = plsc.VectorSubcoreMesh(core_axis_name="c", subcore_axis_name="s")
    sc_fn = functools.partial(
        pl.kernel,
        mesh=mesh,
        compiler_params=pltpu.CompilerParams(needs_layout_passes=False),
        out_type=jax.ShapeDtypeStruct((_BATCH, _LANES), jnp.float32),
        scratch_types=[
            pltpu.VMEM((_SEQ,), jnp.int32),
            pltpu.VMEM((_EMB, _TILE), jnp.float32),
            pltpu.VMEM((_EMB,), jnp.float32),
            pltpu.VMEM((_LANES,), jnp.float32),
            pltpu.VMEM((_LANES,), jnp.float32),
            pltpu.SemaphoreType.DMA,
            pltpu.SemaphoreType.DMA,
        ],
    )(_sc_body)
    out2d = sc_fn(table.T, input_words.astype(jnp.int32),
                  fc_w.astype(jnp.float32), fc_b.astype(jnp.float32))
    return out2d[:, 0]

# --- scband reference (transcript-rebuilt; emitter-appended) ---
"""Pipeline reference for scband-base-sentiment-89335319757273 (READ-ONLY COPY).

The authoritative reference and input builder live on the scoring server;
editing this copy changes nothing except your own understanding.
"""

import jax, jax.numpy as jnp
import numpy as np

VOCAB = 1000000
EMB = 300

def setup_inputs(seed: int = 0) -> dict:
    key = jax.random.key(seed)
    k1, k2, k3 = jax.random.split(key, 3)
    input_words = jax.random.randint(k1, (25, 200), 0, VOCAB)
    # learned params: embedding table (emulates train_tensor_dict lookup table) and fc layer
    table = jax.random.normal(k2, (VOCAB, EMB), dtype=jnp.float32) * 0.02
    fc_w = jax.random.normal(k3, (1, EMB), dtype=jnp.float32) * 0.05
    fc_b = jnp.zeros((1,), dtype=jnp.float32)
    return {"input_words": input_words, "table": table, "fc_w": fc_w, "fc_b": fc_b}

def reference(input_words, table, fc_w, fc_b):
    # get_emb: per-token embedding lookup -> [25, 200, 300]
    emb = jnp.take(table, input_words, axis=0)
    # fc: Linear(embedding_dim, output_size)
    op = emb @ fc_w.T + fc_b  # [25, 200, 1]
    op = jax.nn.sigmoid(op)
    op = op.reshape(25, -1)   # [25, 200]
    return op[:, -1]          # [25]

if __name__ == "__main__":
    import jax
    _d = setup_inputs()
    print(jax.jit(kernel)(*tuple(_d.values())))

</pallas_src>

<mosaic_0001>
#map = affine_map<(d0, d1) -> (0, 0)>
#map1 = affine_map<(d0, d1) -> (0)>
module attributes {stable_mosaic.version = 14 : i64} {
  func.func @_sc_body(%arg0: i32, %arg1: i32, %arg2: memref<300x1000000xf32, #tpu.memory_space<hbm>>, %arg3: memref<25x200xi32, #tpu.memory_space<hbm>>, %arg4: memref<1x300xf32, #tpu.memory_space<hbm>>, %arg5: memref<1xf32, #tpu.memory_space<hbm>>, %arg6: memref<25x16xf32, #tpu.memory_space<hbm>>, %arg7: memref<200xi32, #tpu.memory_space<vmem>>, %arg8: memref<300x128xf32, #tpu.memory_space<vmem>>, %arg9: memref<300xf32, #tpu.memory_space<vmem>>, %arg10: memref<16xf32, #tpu.memory_space<vmem>>, %arg11: memref<16xf32, #tpu.memory_space<vmem>>, %arg12: memref<!tpu.dma_semaphore, #tpu.memory_space<semaphore_mem>>, %arg13: memref<!tpu.dma_semaphore, #tpu.memory_space<semaphore_mem>>) attributes {dimension_semantics = [#tpu.dimension_semantics<core_parallel>, #tpu.dimension_semantics<subcore_parallel>], iteration_bounds = array<i64: 2, 16>, scalar_prefetch = 0 : i64, scratch_operands = 7 : i64, tpu.core_type = #tpu.core_type<sc_vector_subcore>, window_params = [{transform_indices = #map}, {transform_indices = #map}, {transform_indices = #map}, {transform_indices = #map1}, {transform_indices = #map}]} {
    %mul3A = arith.constant 16 : i32
    %mul3A_0 = arith.muli %arg0, %mul3A : i32
    %add3A = arith.addi %mul3A_0, %arg1 : i32
    %lt3A = arith.constant 25 : i32
    %lt3A_1 = arith.cmpi slt, %add3A, %lt3A : i32
    %convert_element_type3A = arith.extui %lt3A_1 : i1 to i32
    %cond3A = arith.constant 0 : i32
    %cond3A_2 = arith.cmpi ne, %convert_element_type3A, %cond3A : i32
    scf.if %cond3A_2 {
      "tpu.region"() ({
        %run_scoped3A = tpu.sem_alloc : memref<!tpu.dma_semaphore, #tpu.memory_space<semaphore_mem>>
        %dma_start3A_243 = arith.constant 0 : i32
        %dma_start3A_244 = tpu.memref_slice %arg3[%add3A, %dma_start3A_243] : memref<25x200xi32, #tpu.memory_space<hbm>> -> memref<1x200xi32, #tpu.memory_space<hbm>>
        %dma_start3A_245 = tpu.memref_squeeze %dma_start3A_244 : memref<1x200xi32, #tpu.memory_space<hbm>> -> memref<200xi32, #tpu.memory_space<hbm>>
        %dma_start3A_246 = arith.constant 0 : i32
        %dma_start3A_247 = tpu.memref_slice %arg3[%add3A, %dma_start3A_246] : memref<25x200xi32, #tpu.memory_space<hbm>> -> memref<1x200xi32, #tpu.memory_space<hbm>>
        %dma_start3A_248 = tpu.memref_squeeze %dma_start3A_247 : memref<1x200xi32, #tpu.memory_space<hbm>> -> memref<200xi32, #tpu.memory_space<hbm>>
        tpu.enqueue_dma source(%dma_start3A_248 : memref<200xi32, #tpu.memory_space<hbm>>) target(%arg7 : memref<200xi32, #tpu.memory_space<vmem>>) target_semaphore(%run_scoped3A : memref<!tpu.dma_semaphore, #tpu.memory_space<semaphore_mem>>)
        %dma_wait3A_249 = arith.constant 0 : i32
        %dma_wait3A_250 = tpu.memref_slice %arg3[%add3A, %dma_wait3A_249] : memref<25x200xi32, #tpu.memory_space<hbm>> -> memref<1x200xi32, #tpu.memory_space<hbm>>
        %dma_wait3A_251 = tpu.memref_squeeze %dma_wait3A_250 : memref<1x200xi32, #tpu.memory_space<hbm>> -> memref<200xi32, #tpu.memory_space<hbm>>
        %dma_wait3A_252 = arith.constant 0 : i32
        %dma_wait3A_253 = tpu.memref_slice %arg3[%add3A, %dma_wait3A_252] : memref<25x200xi32, #tpu.memory_space<hbm>> -> memref<1x200xi32, #tpu.memory_space<hbm>>
        %dma_wait3A_254 = tpu.memref_squeeze %dma_wait3A_253 : memref<1x200xi32, #tpu.memory_space<hbm>> -> memref<200xi32, #tpu.memory_space<hbm>>
        tpu.wait_dma2 semaphore(%run_scoped3A : memref<!tpu.dma_semaphore, #tpu.memory_space<semaphore_mem>>) src(%dma_wait3A_254 : memref<200xi32, #tpu.memory_space<hbm>>) dst(%arg7 : memref<200xi32, #tpu.memory_space<vmem>>)
        tpu.yield
      }) : () -> ()
      %get3A = arith.constant 184 : index
      %get3A_3 = tpu.vector_load %arg7[%get3A] {strides = array<i32>} : memref<200xi32, #tpu.memory_space<vmem>>, vector<16xi32>,
      %slice3A = vector.extract_strided_slice %get3A_3 {offsets = [15], sizes = [1], strides = [1]} : vector<16xi32> to vector<1xi32>
      %squeeze3A = vector.extract %slice3A[0] : i32 from vector<1xi32>
      %jit3A = arith.constant 128 : i32
      %div3A = arith.divsi %squeeze3A, %jit3A : i32
      %sign3A = arith.constant 0 : i32
      %sign3A_4 = arith.cmpi sgt, %squeeze3A, %sign3A : i32
      %sign3A_5 = arith.extui %sign3A_4 : i1 to i32
      %sign3A_6 = arith.constant 0 : i32
      %sign3A_7 = arith.cmpi slt, %squeeze3A, %sign3A_6 : i32
      %sign3A_8 = arith.extui %sign3A_7 : i1 to i32
      %sign3A_9 = arith.subi %sign3A_5, %sign3A_8 : i32
      %sign3A_10 = arith.constant 0 : i32
      %sign3A_11 = arith.cmpi sgt, %jit3A, %sign3A_10 : i32
      %sign3A_12 = arith.extui %sign3A_11 : i1 to i32
      %sign3A_13 = arith.constant 0 : i32
      %sign3A_14 = arith.cmpi slt, %jit3A, %sign3A_13 : i32
      %sign3A_15 = arith.extui %sign3A_14 : i1 to i32
      %sign3A_16 = arith.subi %sign3A_12, %sign3A_15 : i32
      %ne3A = arith.cmpi ne, %sign3A_9, %sign3A_16 : i32
      %rem3A = arith.remsi %squeeze3A, %jit3A : i32
      %ne3A_17 = arith.constant 0 : i32
      %ne3A_18 = arith.cmpi ne, %rem3A, %ne3A_17 : i32
      %and3A = arith.andi %ne3A, %ne3A_18 : i1
      %sub3A = arith.constant 1 : i32
      %sub3A_19 = arith.subi %div3A, %sub3A : i32
      %select_n3A = arith.select %and3A, %sub3A_19, %div3A : i32
      %mul3A_20 = arith.constant 128 : i32
      %mul3A_21 = arith.muli %select_n3A, %mul3A_20 : i32
      %multiple_of3A = tpu.assume_multiple %mul3A_21, 128 : i32
      %sub3A_22 = arith.subi %squeeze3A, %multiple_of3A : i32
      %dma_start3A = arith.constant 0 : i32
      %dma_start3A_23 = tpu.memref_slice %arg2[%dma_start3A, %multiple_of3A] : memref<300x1000000xf32, #tpu.memory_space<hbm>> -> memref<300x128xf32, #tpu.memory_space<hbm>>
      %dma_start3A_24 = arith.constant 0 : i32
      %dma_start3A_25 = tpu.memref_slice %arg2[%dma_start3A_24, %multiple_of3A] : memref<300x1000000xf32, #tpu.memory_space<hbm>> -> memref<300x128xf32, #tpu.memory_space<hbm>>
      tpu.enqueue_dma source(%dma_start3A_25 : memref<300x128xf32, #tpu.memory_space<hbm>>) target(%arg8 : memref<300x128xf32, #tpu.memory_space<vmem>>) target_semaphore(%arg12 : memref<!tpu.dma_semaphore, #tpu.memory_space<semaphore_mem>>)
      %dma_start3A_26 = arith.constant 0 : i32
      %dma_start3A_27 = arith.constant 0 : i32
      %dma_start3A_28 = tpu.memref_slice %arg4[%dma_start3A_26, %dma_start3A_27] : memref<1x300xf32, #tpu.memory_space<hbm>> -> memref<1x300xf32, #tpu.memory_space<hbm>>
      %dma_start3A_29 = tpu.memref_squeeze %dma_start3A_28 : memref<1x300xf32, #tpu.memory_space<hbm>> -> memref<300xf32, #tpu.memory_space<hbm>>
      %dma_start3A_30 = arith.constant 0 : i32
      %dma_start3A_31 = tpu.memref_slice %arg4[%dma_start3A_26, %dma_start3A_30] : memref<1x300xf32, #tpu.memory_space<hbm>> -> memref<1x300xf32, #tpu.memory_space<hbm>>
      %dma_start3A_32 = tpu.memref_squeeze %dma_start3A_31 : memref<1x300xf32, #tpu.memory_space<hbm>> -> memref<300xf32, #tpu.memory_space<hbm>>
      tpu.enqueue_dma source(%dma_start3A_32 : memref<300xf32, #tpu.memory_space<hbm>>) target(%arg9 : memref<300xf32, #tpu.memory_space<vmem>>) target_semaphore(%arg13 : memref<!tpu.dma_semaphore, #tpu.memory_space<semaphore_mem>>)
      %dma_wait3A = arith.constant 0 : i32
      %dma_wait3A_33 = arith.constant 0 : i32
      %dma_wait3A_34 = tpu.memref_slice %arg4[%dma_wait3A, %dma_wait3A_33] : memref<1x300xf32, #tpu.memory_space<hbm>> -> memref<1x300xf32, #tpu.memory_space<hbm>>
      %dma_wait3A_35 = tpu.memref_squeeze %dma_wait3A_34 : memref<1x300xf32, #tpu.memory_space<hbm>> -> memref<300xf32, #tpu.memory_space<hbm>>
      %dma_wait3A_36 = arith.constant 0 : i32
      %dma_wait3A_37 = tpu.memref_slice %arg4[%dma_wait3A, %dma_wait3A_36] : memref<1x300xf32, #tpu.memory_space<hbm>> -> memref<1x300xf32, #tpu.memory_space<hbm>>
      %dma_wait3A_38 = tpu.memref_squeeze %dma_wait3A_37 : memref<1x300xf32, #tpu.memory_space<hbm>> -> memref<300xf32, #tpu.memory_space<hbm>>
      tpu.wait_dma2 semaphore(%arg13 : memref<!tpu.dma_semaphore, #tpu.memory_space<semaphore_mem>>) src(%dma_wait3A_38 : memref<300xf32, #tpu.memory_space<hbm>>) dst(%arg9 : memref<300xf32, #tpu.memory_space<vmem>>)
      "tpu.region"() ({
        %run_scoped3A = tpu.sem_alloc : memref<!tpu.dma_semaphore, #tpu.memory_space<semaphore_mem>>
        %dma_start3A_243 = arith.constant 0 : i32
        %dma_start3A_244 = tpu.memref_slice %arg10[%dma_start3A_243] : memref<16xf32, #tpu.memory_space<vmem>> -> memref<1xf32, #tpu.memory_space<vmem>>
        %dma_start3A_245 = arith.constant 0 : i32
        %dma_start3A_246 = tpu.memref_slice %arg10[%dma_start3A_245] : memref<16xf32, #tpu.memory_space<vmem>> -> memref<1xf32, #tpu.memory_space<vmem>>
        tpu.enqueue_dma source(%arg5 : memref<1xf32, #tpu.memory_space<hbm>>) target(%dma_start3A_246 : memref<1xf32, #tpu.memory_space<vmem>>) target_semaphore(%run_scoped3A : memref<!tpu.dma_semaphore, #tpu.memory_space<semaphore_mem>>)
        %dma_wait3A_247 = arith.constant 0 : i32
        %dma_wait3A_248 = tpu.memref_slice %arg10[%dma_wait3A_247] : memref<16xf32, #tpu.memory_space<vmem>> -> memref<1xf32, #tpu.memory_space<vmem>>
        %dma_wait3A_249 = arith.constant 0 : i32
        %dma_wait3A_250 = tpu.memref_slice %arg10[%dma_wait3A_249] : memref<16xf32, #tpu.memory_space<vmem>> -> memref<1xf32, #tpu.memory_space<vmem>>
        tpu.wait_dma2 semaphore(%run_scoped3A : memref<!tpu.dma_semaphore, #tpu.memory_space<semaphore_mem>>) src(%arg5 : memref<1xf32, #tpu.memory_space<hbm>>) dst(%dma_wait3A_250 : memref<1xf32, #tpu.memory_space<vmem>>)
        tpu.yield
      }) : () -> ()
      %dma_wait3A_39 = arith.constant 0 : i32
      %dma_wait3A_40 = tpu.memref_slice %arg2[%dma_wait3A_39, %multiple_of3A] : memref<300x1000000xf32, #tpu.memory_space<hbm>> -> memref<300x128xf32, #tpu.memory_space<hbm>>
      %dma_wait3A_41 = arith.constant 0 : i32
      %dma_wait3A_42 = tpu.memref_slice %arg2[%dma_wait3A_41, %multiple_of3A] : memref<300x1000000xf32, #tpu.memory_space<hbm>> -> memref<300x128xf32, #tpu.memory_space<hbm>>
      tpu.wait_dma2 semaphore(%arg12 : memref<!tpu.dma_semaphore, #tpu.memory_space<semaphore_mem>>) src(%dma_wait3A_42 : memref<300x128xf32, #tpu.memory_space<hbm>>) dst(%arg8 : memref<300x128xf32, #tpu.memory_space<vmem>>)
      %broadcast_in_dim3A = vector.broadcast %sub3A_22 : i32 to vector<16xi32>
      %iota3A = tpu.iota {dimensions = array<i32: 0>} : vector<16xi32>
      %broadcast_in_dim3A_43 = arith.constant 0.000000e+00 : f32
      %broadcast_in_dim3A_44 = vector.broadcast %broadcast_in_dim3A_43 : f32 to vector<16xf32>
      %add3A_45 = arith.constant 0 : i32
      %add3A_46 = vector.broadcast %add3A_45 : i32 to vector<16xi32>
      %add3A_47 = arith.addi %iota3A, %add3A_46 : vector<16xi32>
      %gather3A = tpu.vector_load_idx %arg8[%add3A_47, %broadcast_in_dim3A] : memref<300x128xf32, #tpu.memory_space<vmem>>[vector<16xi32>, vector<16xi32>], vector<16xf32>,
      %get3A_48 = arith.constant 0 : index
      %get3A_49 = tpu.vector_load %arg9[%get3A_48] {strides = array<i32>} : memref<300xf32, #tpu.memory_space<vmem>>, vector<16xf32>,
      %mul3A_50 = arith.mulf %gather3A, %get3A_49 : vector<16xf32>
      %add3A_51 = arith.addf %broadcast_in_dim3A_44, %mul3A_50 : vector<16xf32>
      %add3A_52 = arith.constant 16 : i32
      %add3A_53 = vector.broadcast %add3A_52 : i32 to vector<16xi32>
      %add3A_54 = arith.addi %iota3A, %add3A_53 : vector<16xi32>
      %gather3A_55 = tpu.vector_load_idx %arg8[%add3A_54, %broadcast_in_dim3A] : memref<300x128xf32, #tpu.memory_space<vmem>>[vector<16xi32>, vector<16xi32>], vector<16xf32>,
      %get3A_56 = arith.constant 16 : index
      %get3A_57 = tpu.vector_load %arg9[%get3A_56] {strides = array<i32>} : memref<300xf32, #tpu.memory_space<vmem>>, vector<16xf32>,
      %mul3A_58 = arith.mulf %gather3A_55, %get3A_57 : vector<16xf32>
      %add3A_59 = arith.addf %add3A_51, %mul3A_58 : vector<16xf32>
      %add3A_60 = arith.constant 32 : i32
      %add3A_61 = vector.broadcast %add3A_60 : i32 to vector<16xi32>
      %add3A_62 = arith.addi %iota3A, %add3A_61 : vector<16xi32>
      %gather3A_63 = tpu.vector_load_idx %arg8[%add3A_62, %broadcast_in_dim3A] : memref<300x128xf32, #tpu.memory_space<vmem>>[vector<16xi32>, vector<16xi32>], vector<16xf32>,
      %get3A_64 = arith.constant 32 : index
      %get3A_65 = tpu.vector_load %arg9[%get3A_64] {strides = array<i32>} : memref<300xf32, #tpu.memory_space<vmem>>, vector<16xf32>,
      %mul3A_66 = arith.mulf %gather3A_63, %get3A_65 : vector<16xf32>
      %add3A_67 = arith.addf %add3A_59, %mul3A_66 : vector<16xf32>
      %add3A_68 = arith.constant 48 : i32
      %add3A_69 = vector.broadcast %add3A_68 : i32 to vector<16xi32>
      %add3A_70 = arith.addi %iota3A, %add3A_69 : vector<16xi32>
      %gather3A_71 = tpu.vector_load_idx %arg8[%add3A_70, %broadcast_in_dim3A] : memref<300x128xf32, #tpu.memory_space<vmem>>[vector<16xi32>, vector<16xi32>], vector<16xf32>,
      %get3A_72 = arith.constant 48 : index
      %get3A_73 = tpu.vector_load %arg9[%get3A_72] {strides = array<i32>} : memref<300xf32, #tpu.memory_space<vmem>>, vector<16xf32>,
      %mul3A_74 = arith.mulf %gather3A_71, %get3A_73 : vector<16xf32>
      %add3A_75 = arith.addf %add3A_67, %mul3A_74 : vector<16xf32>
      %add3A_76 = arith.constant 64 : i32
      %add3A_77 = vector.broadcast %add3A_76 : i32 to vector<16xi32>
      %add3A_78 = arith.addi %iota3A, %add3A_77 : vector<16xi32>
      %gather3A_79 = tpu.vector_load_idx %arg8[%add3A_78, %broadcast_in_dim3A] : memref<300x128xf32, #tpu.memory_space<vmem>>[vector<16xi32>, vector<16xi32>], vector<16xf32>,
      %get3A_80 = arith.constant 64 : index
      %get3A_81 = tpu.vector_load %arg9[%get3A_80] {strides = array<i32>} : memref<300xf32, #tpu.memory_space<vmem>>, vector<16xf32>,
      %mul3A_82 = arith.mulf %gather3A_79, %get3A_81 : vector<16xf32>
      %add3A_83 = arith.addf %add3A_75, %mul3A_82 : vector<16xf32>
      %add3A_84 = arith.constant 80 : i32
      %add3A_85 = vector.broadcast %add3A_84 : i32 to vector<16xi32>
      %add3A_86 = arith.addi %iota3A, %add3A_85 : vector<16xi32>
      %gather3A_87 = tpu.vector_load_idx %arg8[%add3A_86, %broadcast_in_dim3A] : memref<300x128xf32, #tpu.memory_space<vmem>>[vector<16xi32>, vector<16xi32>], vector<16xf32>,
      %get3A_88 = arith.constant 80 : index
      %get3A_89 = tpu.vector_load %arg9[%get3A_88] {strides = array<i32>} : memref<300xf32, #tpu.memory_space<vmem>>, vector<16xf32>,
      %mul3A_90 = arith.mulf %gather3A_87, %get3A_89 : vector<16xf32>
      %add3A_91 = arith.addf %add3A_83, %mul3A_90 : vector<16xf32>
      %add3A_92 = arith.constant 96 : i32
      %add3A_93 = vector.broadcast %add3A_92 : i32 to vector<16xi32>
      %add3A_94 = arith.addi %iota3A, %add3A_93 : vector<16xi32>
      %gather3A_95 = tpu.vector_load_idx %arg8[%add3A_94, %broadcast_in_dim3A] : memref<300x128xf32, #tpu.memory_space<vmem>>[vector<16xi32>, vector<16xi32>], vector<16xf32>,
      %get3A_96 = arith.constant 96 : index
      %get3A_97 = tpu.vector_load %arg9[%get3A_96] {strides = array<i32>} : memref<300xf32, #tpu.memory_space<vmem>>, vector<16xf32>,
      %mul3A_98 = arith.mulf %gather3A_95, %get3A_97 : vector<16xf32>
      %add3A_99 = arith.addf %add3A_91, %mul3A_98 : vector<16xf32>
      %add3A_100 = arith.constant 112 : i32
      %add3A_101 = vector.broadcast %add3A_100 : i32 to vector<16xi32>
      %add3A_102 = arith.addi %iota3A, %add3A_101 : vector<16xi32>
      %gather3A_103 = tpu.vector_load_idx %arg8[%add3A_102, %broadcast_in_dim3A] : memref<300x128xf32, #tpu.memory_space<vmem>>[vector<16xi32>, vector<16xi32>], vector<16xf32>,
      %get3A_104 = arith.constant 112 : index
      %get3A_105 = tpu.vector_load %arg9[%get3A_104] {strides = array<i32>} : memref<300xf32, #tpu.memory_space<vmem>>, vector<16xf32>,
      %mul3A_106 = arith.mulf %gather3A_103, %get3A_105 : vector<16xf32>
      %add3A_107 = arith.addf %add3A_99, %mul3A_106 : vector<16xf32>
      %add3A_108 = arith.constant 128 : i32
      %add3A_109 = vector.broadcast %add3A_108 : i32 to vector<16xi32>
      %add3A_110 = arith.addi %iota3A, %add3A_109 : vector<16xi32>
      %gather3A_111 = tpu.vector_load_idx %arg8[%add3A_110, %broadcast_in_dim3A] : memref<300x128xf32, #tpu.memory_space<vmem>>[vector<16xi32>, vector<16xi32>], vector<16xf32>,
      %get3A_112 = arith.constant 128 : index
      %get3A_113 = tpu.vector_load %arg9[%get3A_112] {strides = array<i32>} : memref<300xf32, #tpu.memory_space<vmem>>, vector<16xf32>,
      %mul3A_114 = arith.mulf %gather3A_111, %get3A_113 : vector<16xf32>
      %add3A_115 = arith.addf %add3A_107, %mul3A_114 : vector<16xf32>
      %add3A_116 = arith.constant 144 : i32
      %add3A_117 = vector.broadcast %add3A_116 : i32 to vector<16xi32>
      %add3A_118 = arith.addi %iota3A, %add3A_117 : vector<16xi32>
      %gather3A_119 = tpu.vector_load_idx %arg8[%add3A_118, %broadcast_in_dim3A] : memref<300x128xf32, #tpu.memory_space<vmem>>[vector<16xi32>, vector<16xi32>], vector<16xf32>,
      %get3A_120 = arith.constant 144 : index
      %get3A_121 = tpu.vector_load %arg9[%get3A_120] {strides = array<i32>} : memref<300xf32, #tpu.memory_space<vmem>>, vector<16xf32>,
      %mul3A_122 = arith.mulf %gather3A_119, %get3A_121 : vector<16xf32>
      %add3A_123 = arith.addf %add3A_115, %mul3A_122 : vector<16xf32>
      %add3A_124 = arith.constant 160 : i32
      %add3A_125 = vector.broadcast %add3A_124 : i32 to vector<16xi32>
      %add3A_126 = arith.addi %iota3A, %add3A_125 : vector<16xi32>
      %gather3A_127 = tpu.vector_load_idx %arg8[%add3A_126, %broadcast_in_dim3A] : memref<300x128xf32, #tpu.memory_space<vmem>>[vector<16xi32>, vector<16xi32>], vector<16xf32>,
      %get3A_128 = arith.constant 160 : index
      %get3A_129 = tpu.vector_load %arg9[%get3A_128] {strides = array<i32>} : memref<300xf32, #tpu.memory_space<vmem>>, vector<16xf32>,
      %mul3A_130 = arith.mulf %gather3A_127, %get3A_129 : vector<16xf32>
      %add3A_131 = arith.addf %add3A_123, %mul3A_130 : vector<16xf32>
      %add3A_132 = arith.constant 176 : i32
      %add3A_133 = vector.broadcast %add3A_132 : i32 to vector<16xi32>
      %add3A_134 = arith.addi %iota3A, %add3A_133 : vector<16xi32>
      %gather3A_135 = tpu.vector_load_idx %arg8[%add3A_134, %broadcast_in_dim3A] : memref<300x128xf32, #tpu.memory_space<vmem>>[vector<16xi32>, vector<16xi32>], vector<16xf32>,
      %get3A_136 = arith.constant 176 : index
      %get3A_137 = tpu.vector_load %arg9[%get3A_136] {strides = array<i32>} : memref<300xf32, #tpu.memory_space<vmem>>, vector<16xf32>,
      %mul3A_138 = arith.mulf %gather3A_135, %get3A_137 : vector<16xf32>
      %add3A_139 = arith.addf %add3A_131, %mul3A_138 : vector<16xf32>
      %add3A_140 = arith.constant 192 : i32
      %add3A_141 = vector.broadcast %add3A_140 : i32 to vector<16xi32>
      %add3A_142 = arith.addi %iota3A, %add3A_141 : vector<16xi32>
      %gather3A_143 = tpu.vector_load_idx %arg8[%add3A_142, %broadcast_in_dim3A] : memref<300x128xf32, #tpu.memory_space<vmem>>[vector<16xi32>, vector<16xi32>], vector<16xf32>,
      %get3A_144 = arith.constant 192 : index
      %get3A_145 = tpu.vector_load %arg9[%get3A_144] {strides = array<i32>} : memref<300xf32, #tpu.memory_space<vmem>>, vector<16xf32>,
      %mul3A_146 = arith.mulf %gather3A_143, %get3A_145 : vector<16xf32>
      %add3A_147 = arith.addf %add3A_139, %mul3A_146 : vector<16xf32>
      %add3A_148 = arith.constant 208 : i32
      %add3A_149 = vector.broadcast %add3A_148 : i32 to vector<16xi32>
      %add3A_150 = arith.addi %iota3A, %add3A_149 : vector<16xi32>
      %gather3A_151 = tpu.vector_load_idx %arg8[%add3A_150, %broadcast_in_dim3A] : memref<300x128xf32, #tpu.memory_space<vmem>>[vector<16xi32>, vector<16xi32>], vector<16xf32>,
      %get3A_152 = arith.constant 208 : index
      %get3A_153 = tpu.vector_load %arg9[%get3A_152] {strides = array<i32>} : memref<300xf32, #tpu.memory_space<vmem>>, vector<16xf32>,
      %mul3A_154 = arith.mulf %gather3A_151, %get3A_153 : vector<16xf32>
      %add3A_155 = arith.addf %add3A_147, %mul3A_154 : vector<16xf32>
      %add3A_156 = arith.constant 224 : i32
      %add3A_157 = vector.broadcast %add3A_156 : i32 to vector<16xi32>
      %add3A_158 = arith.addi %iota3A, %add3A_157 : vector<16xi32>
      %gather3A_159 = tpu.vector_load_idx %arg8[%add3A_158, %broadcast_in_dim3A] : memref<300x128xf32, #tpu.memory_space<vmem>>[vector<16xi32>, vector<16xi32>], vector<16xf32>,
      %get3A_160 = arith.constant 224 : index
      %get3A_161 = tpu.vector_load %arg9[%get3A_160] {strides = array<i32>} : memref<300xf32, #tpu.memory_space<vmem>>, vector<16xf32>,
      %mul3A_162 = arith.mulf %gather3A_159, %get3A_161 : vector<16xf32>
      %add3A_163 = arith.addf %add3A_155, %mul3A_162 : vector<16xf32>
      %add3A_164 = arith.constant 240 : i32
      %add3A_165 = vector.broadcast %add3A_164 : i32 to vector<16xi32>
      %add3A_166 = arith.addi %iota3A, %add3A_165 : vector<16xi32>
      %gather3A_167 = tpu.vector_load_idx %arg8[%add3A_166, %broadcast_in_dim3A] : memref<300x128xf32, #tpu.memory_space<vmem>>[vector<16xi32>, vector<16xi32>], vector<16xf32>,
      %get3A_168 = arith.constant 240 : index
      %get3A_169 = tpu.vector_load %arg9[%get3A_168] {strides = array<i32>} : memref<300xf32, #tpu.memory_space<vmem>>, vector<16xf32>,
      %mul3A_170 = arith.mulf %gather3A_167, %get3A_169 : vector<16xf32>
      %add3A_171 = arith.addf %add3A_163, %mul3A_170 : vector<16xf32>
      %add3A_172 = arith.constant 256 : i32
      %add3A_173 = vector.broadcast %add3A_172 : i32 to vector<16xi32>
      %add3A_174 = arith.addi %iota3A, %add3A_173 : vector<16xi32>
      %gather3A_175 = tpu.vector_load_idx %arg8[%add3A_174, %broadcast_in_dim3A] : memref<300x128xf32, #tpu.memory_space<vmem>>[vector<16xi32>, vector<16xi32>], vector<16xf32>,
      %get3A_176 = arith.constant 256 : index
      %get3A_177 = tpu.vector_load %arg9[%get3A_176] {strides = array<i32>} : memref<300xf32, #tpu.memory_space<vmem>>, vector<16xf32>,
      %mul3A_178 = arith.mulf %gather3A_175, %get3A_177 : vector<16xf32>
      %add3A_179 = arith.addf %add3A_171, %mul3A_178 : vector<16xf32>
      %add3A_180 = arith.constant 272 : i32
      %add3A_181 = vector.broadcast %add3A_180 : i32 to vector<16xi32>
      %add3A_182 = arith.addi %iota3A, %add3A_181 : vector<16xi32>
      %gather3A_183 = tpu.vector_load_idx %arg8[%add3A_182, %broadcast_in_dim3A] : memref<300x128xf32, #tpu.memory_space<vmem>>[vector<16xi32>, vector<16xi32>], vector<16xf32>,
      %get3A_184 = arith.constant 272 : index
      %get3A_185 = tpu.vector_load %arg9[%get3A_184] {strides = array<i32>} : memref<300xf32, #tpu.memory_space<vmem>>, vector<16xf32>,
      %mul3A_186 = arith.mulf %gather3A_183, %get3A_185 : vector<16xf32>
      %add3A_187 = arith.addf %add3A_179, %mul3A_186 : vector<16xf32>
      %add3A_188 = arith.constant 284 : i32
      %add3A_189 = vector.broadcast %add3A_188 : i32 to vector<16xi32>
      %add3A_190 = arith.addi %iota3A, %add3A_189 : vector<16xi32>
      %gather3A_191 = tpu.vector_load_idx %arg8[%add3A_190, %broadcast_in_dim3A] : memref<300x128xf32, #tpu.memory_space<vmem>>[vector<16xi32>, vector<16xi32>], vector<16xf32>,
      %ge3A = arith.constant 4 : i32
      %ge3A_192 = vector.broadcast %ge3A : i32 to vector<16xi32>
      %ge3A_193 = arith.cmpi sge, %iota3A, %ge3A_192 : vector<16xi32>
      %get3A_194 = arith.constant 284 : index
      %get3A_195 = tpu.vector_load %arg9[%get3A_194] {strides = array<i32>} : memref<300xf32, #tpu.memory_space<vmem>>, vector<16xf32>,
      %broadcast_in_dim3A_196 = arith.constant 0.000000e+00 : f32
      %broadcast_in_dim3A_197 = vector.broadcast %broadcast_in_dim3A_196 : f32 to vector<16xf32>
      %select_n3A_198 = arith.select %ge3A_193, %get3A_195, %broadcast_in_dim3A_197 : vector<16xi1>, vector<16xf32>
      %mul3A_199 = arith.mulf %gather3A_191, %select_n3A_198 : vector<16xf32>
      %add3A_200 = arith.addf %add3A_187, %mul3A_199 : vector<16xf32>
      %xor3A = arith.constant 8 : i32
      %xor3A_201 = vector.broadcast %xor3A : i32 to vector<16xi32>
      %xor3A_202 = arith.xori %iota3A, %xor3A_201 : vector<16xi32>
      %broadcast_in_dim3A_203 = vector.shape_cast %xor3A_202 : vector<16xi32> to vector<16x1xi32>
      %gather3A_204 = vector.shape_cast %broadcast_in_dim3A_203 : vector<16x1xi32> to vector<16xi32>
      %gather3A_205 = tpu.dynamic_gather %add3A_200[%gather3A_204] in [0] : vector<16xf32>, vector<16xi32> -> vector<16xf32>
      %add3A_206 = arith.addf %add3A_200, %gather3A_205 : vector<16xf32>
      %xor3A_207 = arith.constant 4 : i32
      %xor3A_208 = vector.broadcast %xor3A_207 : i32 to vector<16xi32>
      %xor3A_209 = arith.xori %iota3A, %xor3A_208 : vector<16xi32>
      %broadcast_in_dim3A_210 = vector.shape_cast %xor3A_209 : vector<16xi32> to vector<16x1xi32>
      %gather3A_211 = vector.shape_cast %broadcast_in_dim3A_210 : vector<16x1xi32> to vector<16xi32>
      %gather3A_212 = tpu.dynamic_gather %add3A_206[%gather3A_211] in [0] : vector<16xf32>, vector<16xi32> -> vector<16xf32>
      %add3A_213 = arith.addf %add3A_206, %gather3A_212 : vector<16xf32>
      %xor3A_214 = arith.constant 2 : i32
      %xor3A_215 = vector.broadcast %xor3A_214 : i32 to vector<16xi32>
      %xor3A_216 = arith.xori %iota3A, %xor3A_215 : vector<16xi32>
      %broadcast_in_dim3A_217 = vector.shape_cast %xor3A_216 : vector<16xi32> to vector<16x1xi32>
      %gather3A_218 = vector.shape_cast %broadcast_in_dim3A_217 : vector<16x1xi32> to vector<16xi32>
      %gather3A_219 = tpu.dynamic_gather %add3A_213[%gather3A_218] in [0] : vector<16xf32>, vector<16xi32> -> vector<16xf32>
      %add3A_220 = arith.addf %add3A_213, %gather3A_219 : vector<16xf32>
      %xor3A_221 = arith.constant 1 : i32
      %xor3A_222 = vector.broadcast %xor3A_221 : i32 to vector<16xi32>
      %xor3A_223 = arith.xori %iota3A, %xor3A_222 : vector<16xi32>
      %broadcast_in_dim3A_224 = vector.shape_cast %xor3A_223 : vector<16xi32> to vector<16x1xi32>
      %gather3A_225 = vector.shape_cast %broadcast_in_dim3A_224 : vector<16x1xi32> to vector<16xi32>
      %gather3A_226 = tpu.dynamic_gather %add3A_220[%gather3A_225] in [0] : vector<16xf32>, vector<16xi32> -> vector<16xf32>
      %add3A_227 = arith.addf %add3A_220, %gather3A_226 : vector<16xf32>
      %get3A_228 = arith.constant 0 : index
      %get3A_229 = tpu.vector_load %arg10[%get3A_228] {strides = array<i32>} : memref<16xf32, #tpu.memory_space<vmem>>, vector<16xf32>,
      %slice3A_230 = vector.extract_strided_slice %get3A_229 {offsets = [0], sizes = [1], strides = [1]} : vector<16xf32> to vector<1xf32>
      %squeeze3A_231 = vector.extract %slice3A_230[0] : f32 from vector<1xf32>
      %add3A_232 = vector.broadcast %squeeze3A_231 : f32 to vector<16xf32>
      %add3A_233 = arith.addf %add3A_227, %add3A_232 : vector<16xf32>
      %neg3A = arith.constant 0.000000e+00 : f32
      %neg3A_234 = vector.broadcast %neg3A : f32 to vector<16xf32>
      %neg3A_235 = arith.subf %neg3A_234, %add3A_233 : vector<16xf32>
      %exp3A = math.exp %neg3A_235 : vector<16xf32>
      %add3A_236 = arith.constant 1.000000e+00 : f32
      %add3A_237 = vector.broadcast %add3A_236 : f32 to vector<16xf32>
      %add3A_238 = arith.addf %add3A_237, %exp3A : vector<16xf32>
      %div3A_239 = arith.constant 1.000000e+00 : f32
      %div3A_240 = vector.broadcast %div3A_239 : f32 to vector<16xf32>
      %div3A_241 = arith.divf %div3A_240, %add3A_238 : vector<16xf32>
      %swap3A = arith.constant 0 : index
      %swap3A_242 = tpu.vector_load %arg11[%swap3A] {strides = array<i32>} : memref<16xf32, #tpu.memory_space<vmem>>, vector<16xf32>,
      tpu.vector_store %arg11[%swap3A], %div3A_241 {strides = array<i32>} : memref<16xf32, #tpu.memory_space<vmem>>, vector<16xf32>,
      "tpu.region"() ({
        %run_scoped3A = tpu.sem_alloc : memref<!tpu.dma_semaphore, #tpu.memory_space<semaphore_mem>>
        %dma_start3A_243 = arith.constant 0 : i32
        %dma_start3A_244 = tpu.memref_slice %arg6[%add3A, %dma_start3A_243] : memref<25x16xf32, #tpu.memory_space<hbm>> -> memref<1x16xf32, #tpu.memory_space<hbm>>
        %dma_start3A_245 = tpu.memref_squeeze %dma_start3A_244 : memref<1x16xf32, #tpu.memory_space<hbm>> -> memref<16xf32, #tpu.memory_space<hbm>>
        %dma_start3A_246 = arith.constant 0 : i32
        %dma_start3A_247 = tpu.memref_slice %arg6[%add3A, %dma_start3A_246] : memref<25x16xf32, #tpu.memory_space<hbm>> -> memref<1x16xf32, #tpu.memory_space<hbm>>
        %dma_start3A_248 = tpu.memref_squeeze %dma_start3A_247 : memref<1x16xf32, #tpu.memory_space<hbm>> -> memref<16xf32, #tpu.memory_space<hbm>>
        tpu.enqueue_dma source(%arg11 : memref<16xf32, #tpu.memory_space<vmem>>) target(%dma_start3A_248 : memref<16xf32, #tpu.memory_space<hbm>>) target_semaphore(%run_scoped3A : memref<!tpu.dma_semaphore, #tpu.memory_space<semaphore_mem>>)
        %dma_wait3A_249 = arith.constant 0 : i32
        %dma_wait3A_250 = tpu.memref_slice %arg6[%add3A, %dma_wait3A_249] : memref<25x16xf32, #tpu.memory_space<hbm>> -> memref<1x16xf32, #tpu.memory_space<hbm>>
        %dma_wait3A_251 = tpu.memref_squeeze %dma_wait3A_250 : memref<1x16xf32, #tpu.memory_space<hbm>> -> memref<16xf32, #tpu.memory_space<hbm>>
        %dma_wait3A_252 = arith.constant 0 : i32
        %dma_wait3A_253 = tpu.memref_slice %arg6[%add3A, %dma_wait3A_252] : memref<25x16xf32, #tpu.memory_space<hbm>> -> memref<1x16xf32, #tpu.memory_space<hbm>>
        %dma_wait3A_254 = tpu.memref_squeeze %dma_wait3A_253 : memref<1x16xf32, #tpu.memory_space<hbm>> -> memref<16xf32, #tpu.memory_space<hbm>>
        tpu.wait_dma2 semaphore(%run_scoped3A : memref<!tpu.dma_semaphore, #tpu.memory_space<semaphore_mem>>) src(%arg11 : memref<16xf32, #tpu.memory_space<vmem>>) dst(%dma_wait3A_254 : memref<16xf32, #tpu.memory_space<hbm>>)
        tpu.yield
      }) : () -> ()
    } else {
    }
    return
  }
}

</mosaic_0001>

<sc_bundles>
// kernel: kernel.3.cloned.1.call-start
scs
__scs_entry_jumppad:
0x0: {  	(pc) =	sbr.rel $0x88, $3  }
0x1: {  	(tag) =	ssettag $0x0;
	lr =	simm.s32 $0x1  }
0x2: {  	[smem:$0x3F9D] =	sst lr;
	_ =	strace $0xD0000000  }
0x3: {  	_ = 	snop  }
0x4: {  	_ = 	snop  }
0x5: {  	_ = 	snop  }
0x6: {  	_ = 	snop  }
0x7: {  	_ = 	snop  }
__scs_overlays_trampoline_lowered:
0x8: {  	[smem:$0x3FAC] =	sst s0  }
0x9: {  	[smem:$0x3FAD] =	sst s1  }
0xa: {  	[smem:$0x3FAE] =	sst s2  }
0xb: {  	[smem:$0x3FAF] =	sst s3  }
0xc: {  	[smem:$0x3FB0] =	sst s4  }
0xd: {  	[smem:$0x3FB1] =	sst s5  }
0xe: {  	[smem:$0x3FB2] =	sst s6  }
0xf: {  	[smem:$0x3FB3] =	sst s7  }
0x10: {  	[smem:$0x3FB4] =	sst s8  }
0x11: {  	[smem:$0x3FB5] =	sst s9;
	s0 =	simm.s32 @!p0 $0x0  }
0x12: {  	s1 =	sld [smem:$0x3F9B];
	s0 =	simm.s32 @p0 $0x1  }
0x13: {  	[smem:$0x3FB6] =	sst s0;
	s0 =	simm.s32 @!p1 $0x0  }
0x14: {  	s2 =	sld [smem:$0x3F9A];
	s0 =	simm.s32 @p1 $0x1  }
0x15: {  	[smem:$0x3FB7] =	sst s0;
	s0 =	simm.s32 @!p2 $0x0  }
0x16: {  	s3 =	sld [smem:$0x3FDB];
	s0 =	simm.s32 @p2 $0x1  }
0x17: {  	s4 =	simm.s32 $0x1BF5;
	[smem:$0x3FB9] =	sst s0  }
0x18: {  	s0 =	sld [smem:$0x3F9C];
	_ =	swait.ge [sflag:s4], $0x0  }
0x19: {  	s7 =	sld [smem:$0x3F9D]  }
0x1a: {  	s8 =	sadd.s32 $0xFFFFE003, lr  }
0x1b: {  	s9 =	sadd.s32 $0xFFFFFEF7, lr;
	s5 =	simm.s32 $0xFFFFFFFF;
	p2 =	slt.u32 s8, $0xFFFFF086  }
0x1c: {  	p1 =	slt.u32 s9, $0xF7A;
	s5 =	simm.s32 @!p2 $0x0  }
0x1d: {  	s5 =	simm.s32 @p1 $0x1;
	p0 =	seq.s32 s7, s2  }
0x1e: {  	s7 =	smul.u32 @!p0 $0xF7A, s2;
	p2 =	seq.s32 @!p0 s5, $0x0  }
0x1f: {  	s9 =	smul.u32 $0xF7A, s1;
	s8 =	simm.s32 @!p0 $0x1BF5;
	p2 =	por !p2, p0  }
0x20: {  	[sflag:s8] =	ssyncset.s32 @!p0 $0xFFFFF086;
	s6 =	sadd.s32 @!p0 s3, s7;
	s7 =	simm.s32 @!p0 $0x108  }
0x21: {  	s3 =	sadd.s32 s3, s9;
	s6 =	sadd.s32 @!p0 $0x88, s6;
	s7 =	simm.s32 @p2 $0x1082  }
0x22: {  	[simem:s7], [sflag:s8] =	dma.local @!p0 [hbm:s6], $0xF7A  }
0x23: {  	s9 =	sor.u32 $0xD0000000, s2;
	s6 =	simm.s32 $0x108;
	_ =	swait.ge @!p0 [sflag:s8], $0x0  }
0x24: {  	s3 =	sadd.s32 $0x88, s3;
	s6 =	simm.s32 @!p1 $0x1082;
	[sflag:s4] =	ssyncset.s32 $0xFFFFF086  }
0x25: {  	[simem:s6], [sflag:s4] =	dma.local [hbm:s3], $0xF7A  }
0x26: {  	[smem:$0x3F9D] =	sst s1;
	(tag) =	ssettag s2;
	_ =	strace s9  }
0x27: {  	s1 =	sld [smem:$0x3FAD]  }
0x28: {  	s2 =	sld [smem:$0x3FAE]  }
0x29: {  	s4 =	sld [smem:$0x3FB0]  }
0x2a: {  	p0 =	seq.s32 s5, $0x0;
	s5 =	sld [smem:$0x3FB1]  }
0x2b: {  	s6 =	sld [smem:$0x3FB2]  }
0x2c: {  	s7 =	sld [smem:$0x3FB3]  }
0x2d: {  	s3 =	simm.s32 $0x108;
	s8 =	sld [smem:$0x3FB4]  }
0x2e: {  	s3 =	simm.s32 @!p0 $0x1082;
	s9 =	sld [smem:$0x3FB5]  }
0x2f: {  	lr =	sadd.s32 s0, s3;
	s0 =	sld [smem:$0x3FAC]  }
0x30: {  	s3 =	sld [smem:$0x3FAF]  }
0x31: {  	[smem:$0x3FB8] =	sst s10  }
0x32: {  	s10 =	sld [smem:$0x3FB6];
	_ =	sdelay $0x3  }
0x33: {  	p0 =	seq.s32 s10, $0x1;
	s10 =	sld [smem:$0x3FB8];
	_ =	sdelay $0x3  }
0x34: {  	[smem:$0x3FB8] =	sst s10  }
0x35: {  	s10 =	sld [smem:$0x3FB7];
	_ =	sdelay $0x3  }
0x36: {  	p1 =	seq.s32 s10, $0x1;
	s10 =	sld [smem:$0x3FB8];
	_ =	sdelay $0x3  }
0x37: {  	[smem:$0x3FB8] =	sst s10  }
0x38: {  	s10 =	sld [smem:$0x3FB9]  }
0x39: {  	_ = 	snop;
	(pc) =	sbr.ind lr, $3  }
0x3a: {  	_ = 	snop  }
0x3b: {  	_ = 	snop  }
0x3c: {  	p2 =	seq.s32 s10, $0x1;
	s10 =	sld [smem:$0x3FB8]  }
0x3d: {  	_ =	shalt  }
0x3e: {  	_ =	shalt  }
0x3f: {  	_ =	shalt  }
0x40: {  	_ =	shalt  }
0x41: {  	_ =	shalt  }
0x42: {  	_ =	shalt  }
0x43: {  	_ =	shalt  }
0x44: {  	_ =	shalt  }
0x45: {  	_ =	shalt  }
0x46: {  	_ =	shalt  }
0x47: {  	_ =	shalt  }
0x48: {  	_ =	shalt  }
0x49: {  	_ =	shalt  }
0x4a: {  	_ =	shalt  }
0x4b: {  	_ =	shalt  }
0x4c: {  	_ =	shalt  }
0x4d: {  	_ =	shalt  }
0x4e: {  	_ =	shalt  }
0x4f: {  	_ =	shalt  }
0x50: {  	_ =	shalt  }
0x51: {  	_ =	shalt  }
0x52: {  	_ =	shalt  }
0x53: {  	_ =	shalt  }
0x54: {  	_ =	shalt  }
0x55: {  	_ =	shalt  }
0x56: {  	_ =	shalt  }
0x57: {  	_ =	shalt  }
0x58: {  	_ =	shalt  }
0x59: {  	_ =	shalt  }
0x5a: {  	_ =	shalt  }
0x5b: {  	_ =	shalt  }
0x5c: {  	_ =	shalt  }
0x5d: {  	_ =	shalt  }
0x5e: {  	_ =	shalt  }
0x5f: {  	_ =	shalt  }
0x60: {  	_ =	shalt  }
0x61: {  	_ =	shalt  }
0x62: {  	_ =	shalt  }
0x63: {  	_ =	shalt  }
0x64: {  	_ =	shalt  }
0x65: {  	_ =	shalt  }
0x66: {  	_ =	shalt  }
0x67: {  	_ =	shalt  }
0x68: {  	_ =	shalt  }
0x69: {  	_ =	shalt  }
0x6a: {  	_ =	shalt  }
0x6b: {  	_ =	shalt  }
0x6c: {  	_ =	shalt  }
0x6d: {  	_ =	shalt  }
0x6e: {  	_ =	shalt  }
0x6f: {  	_ =	shalt  }
0x70: {  	_ =	shalt  }
0x71: {  	_ =	shalt  }
0x72: {  	_ =	shalt  }
0x73: {  	_ =	shalt  }
0x74: {  	_ =	shalt  }
0x75: {  	_ =	shalt  }
0x76: {  	_ =	shalt  }
0x77: {  	_ =	shalt  }
0x78: {  	_ =	shalt  }
0x79: {  	_ =	shalt  }
0x7a: {  	_ =	shalt  }
0x7b: {  	_ =	shalt  }
0x7c: {  	_ =	shalt  }
0x7d: {  	_ =	shalt  }
0x7e: {  	_ =	shalt  }
0x7f: {  	_ =	shalt  }
0x80: {  	_ =	shalt  }
0x81: {  	_ =	shalt  }
0x82: {  	_ =	shalt  }
0x83: {  	_ =	shalt  }
0x84: {  	_ =	shalt  }
0x85: {  	_ =	shalt  }
0x86: {  	_ =	shalt  }
0x87: {  	_ =	shalt  }
.Lfunc_end0:
.L_simem_size_0:
called_computation_lowered:
.L_overlay_start_0:
0x88: {  	s2 =	sld [smem:$0x3FD9]  }
0x89: {  	s3 =	sld [smem:$0x3FFE];
	_ =	sdelay $0x1  }
0x8a: {  	s1 =	srdreg.scid  }
0x8b: {  	s0 =	sand.u32 $0x1, s1  }
0x8c: {  	s17 =	sshll.u32 s0, $0xA;
	s2 =	sadd.s32 s3, s2  }
0x8d: {  	s2 =	sadd.s32 s2, s17  }
0x8e: {  	[smem:$0x3FC4] =	sst s2  }
0x8f: {  	_ = 	snop  }
0x90: {  	s2 =	sld [smem:$0x3FC9]  }
0x91: {  	s18 =	sld [smem:$0x3FC8]  }
0x92: {  	s4 =	sld [smem:$0x3FC7]  }
0x93: {  	s5 =	sld [smem:$0x3FC6];
	(tm) =	ssettm $0x1  }
0x94: {  	s6 =	sld [smem:$0x3FFB];
	_ =	sdelay $0x3  }
0x95: {  	_ =	strace s6  }
0x96: {  	s6 =	sld [smem:$0x3FFC];
	_ =	sdelay $0x3  }
0x97: {  	_ =	strace s6  }
0x98: {  	s6 =	sld [smem:$0x3FFD];
	_ =	sdelay $0x3  }
0x99: {  	_ =	strace s6  }
0x9a: {  	_ =	strace $0x8FFFFFFF  }
0x9b: {  	s19 =	sld [smem:$0x3FDB];
	_ =	sdelay $0x1  }
0x9c: {  	s7 =	simm.s32 $_scs_section_size  }
0x9d: {  	s8 =	simm.s32 $_size__tile_overlayer_lowered;
	s9 =	simm.s32 $_tile_overlayer_lowered  }
0x9e: {  	s22 =	simm.s32 $0x1BFF;
	s21 =	sshll.u32 s9, $0x1;
	s6 =	sadd.s32 s7, s19  }
0x9f: {  	s10 =	simm.s32 $0x0;
	s20 =	sshll.u32 s8, $0x1;
	s8 =	sadd.s32 s21, s6  }
0xa0: {  	[timem:s10], [sflag:s22] =	dma.local [hbm:s8], s20  }
0xa1: {  	_ =	swait.ge [sflag:s22], s20  }
0xa2: {  	s7 =	ssub.s32 $0x0, s20;
	[sflag:s22] =	ssyncset.done $0x0  }
0xa3: {  	[sflag:s22] =	ssyncadd.s32 s7;
	_ =	sdelay $0x1  }
0xa4: {  	s23 =	simm.s32 $0x1B8B  }
0xa5: {  	_ =	swait.ge [sflag:s23], $0x1  }
0xa6: {  	[sflag:s23] =	ssyncset.done $0x0  }
0xa7: {  	s25 =	simm.s32 $0x1B8E;
	s24 =	sld [smem:$0x3FFE];
	[sflag:s23] =	ssyncadd.s32 $0xFFFFFFFF  }
0xa8: {  	s26 =	simm.s32 $execute0_lowered;
	[smem:$0x3FD2] =	sst s25  }
0xa9: {  	s8 =	sshll.u32 s26, $0x1;
	_ =	strace $0x80000046;
	[dreg:$0x1] =	wrdreg $0xFFFFFFFF  }
0xaa: {  	s28 =	simm.s32 $_size_execute0_lowered;
	s6 =	sadd.s32 s6, s8;
	[dreg:$0x0] =	wrdreg $0x0  }
0xab: {  	s8 =	sshll.u32 s28, $0x1;
	[dreg:$0x2] =	wrdreg s6  }
0xac: {  	[dreg:$0x3] =	wrdreg s8  }
0xad: {  	[dreg:$0x4] =	wrdreg $0xC0  }
0xae: {  	_ =	task [dreg:s10], $0x5FFFF  }
0xaf: {  	[dreg:$0x1] =	wrdreg $0xFFFFFFFF  }
0xb0: {  	[dreg:$0x0] =	wrdreg $0x60  }
0xb1: {  	[dreg:$0x2] =	wrdreg s18  }
0xb2: {  	[dreg:$0x3] =	wrdreg s2  }
0xb3: {  	[dreg:$0x4] =	wrdreg s4  }
0xb4: {  	[dreg:$0x5] =	wrdreg s5  }
0xb5: {  	[dreg:$0x6] =	wrdreg s24  }
0xb6: {  	[dreg:$0x7] =	wrdreg $0x9  }
0xb7: {  	_ =	task.clear_ibuf [dreg:s10], $0x8FFFF;
	_ =	strace $0x90000046  }
0xb8: {  	s29 =	simm.s32 $0x9;
	_ =	strace $0x80000048  }
0xb9: {  	_ =	swait.ge [sflag:s29], $0x1  }
0xba: {  	[sflag:s29] =	ssyncadd.s32 $0xFFFFFFFF  }
0xbb: {  	_ =	strace $0x90000048  }
0xbc: {  	_ =	sfence  }
0xbd: {  	s30 =	sld [smem:$0x0];
	_ =	sdelay $0x2  }
0xbe: {  	s31 =	sshll.u32 s1, $0xD;
	s1 =	sshrl.u32 s1, $0x2  }
0xbf: {  	s3 =	sand.u32 $0x4000, s31;
	s1 =	sadd.s32 s1, s30  }
0xc0: {  	s0 =	sor.u32 s3, s0;
	s1 =	sshll.u32 s1, $0x11  }
0xc1: {  	s0 =	sor.u32 s1, s0  }
0xc2: {  	s0 =	sadd.s32 $0x8F2B, s0  }
0xc3: {  	[sflag:s0] =	ssyncadd.remote.s32 $0x1  }
0xc4: {  	_ =	sfence.sel $0xFFFF  }
0xc5: {  	[dreg:$0x0] =	wrdreg $0xFFFFFFFF;
	(pc) =	sbr.abs _section_cstart, $3  }
0xc6: {  	[dreg:$0x1] =	wrdreg $0xFFFFFFFF  }
0xc7: {  	_ =	task.clear_ibuf [dreg:s10], $0x2FFFF;
	_ =	strace $0x9FFFFFFF  }
0xc8: {  	(tm) =	ssettm $0x7FFFFFFF  }
0xc9: {  	_ =	shalt  }
tec
execute0_lowered:
.L_overlay_start_1:
0x0: {  	(tag) =	ssettag $0x1  }
0x1: {  	s0 =	srdreg.scid  }
0x2: {  	s18 =	sand.u32 $0x1, s0  }
0x3: {  	s1 =	stileid.u32;
	s7 =	sshll.u32 s18, $0x4  }
0x4: {  	s2 =	rddreg [dreg:$0x0];
	s7 =	sor.u32 s1, s7  }
0x5: {  	s6 =	rddreg [dreg:$0x1];
	p0 =	sgt.u32 s7, $0x18  }
.Ltmp0:
0x6: {  	s3 =	rddreg [dreg:$0x2];
	(pc) =	sbr.rel @p0 .LBB2_4-.Ltmp0, $4  }
0x7: {  	s4 =	rddreg [dreg:$0x3]  }
0x8: {  	s17 =	rddreg [dreg:$0x4];
	s5 =	simm.s32 $0x0  }
0x9: {  	[smem:$0x7FF] =	sst s5  }
0xa: {  	s0 =	rddreg [dreg:$0x5];
	_ =	strace $0x80000047  }
0xb: {  	s19 =	sshrl.u32 s7, $0x3;
	s26 =	sshll.u32 s1, $0x7  }
0xc: {  	s20 =	sand.u32 $0x380, s26;
	s28 =	sshll.u32 s19, $0xB  }
0xd: {  	s7 =	sor.u32 s20, s28  }
0xe: {  	s8 =	simm.s32 $0x80;
	s7 =	sshrl.u32 s7, $0x3  }
0xf: {  	s9 =	simm.s32 $0x400;
	s7 =	sadd.s32 s6, s7;
	s6 =	simm.s32 $0x3  }
0x10: {  	[tilespmem:s5], [sflag:$0x3] =	stream.strided.gather [hbm4b:s7+s8], $0x100, s9, s8, $0x38;
	[tilespmem:$0x9B80] =	vst v63  }
0x11: {  	_ =	swait.ge [sflag:s6], $0x100  }
0x12: {  	[sflag:s6] =	ssyncset.done $0x0  }
0x13: {  	[sflag:s6] =	ssyncadd.s32 $0xFFFFFF00  }
0x14: {  	v0 =	vld [tilespmem:$0xB8];
	_ =	sdelay $0x4  }
0x15: {  	(v2sf) =	vpush v0, $0xF;
	_ =	sdelay $0xe  }
0x16: {  	s16 =	spop (v2sf)  }
0x17: {  	s10 =	sand.u32 $0x7F, s16  }
0x18: {  	s11 =	sshra.s32 s16, $0x1F;
	p0 =	slt.s32 s16, $0x1;
	p1 =	sne.s32 s10, $0x0  }
0x19: {  	s29 =	sshrl.u32 s11, $0x19;
	p0 =	por !p0, !p1  }
0x1a: {  	s11 =	simm.s32 $0x1;
	s10 =	sadd.s32 s29, s16;
	p0 =	por !p0, !p0  }
0x1b: {  	s10 =	sshrl.u32 s10, $0x7;
	s11 =	simm.s32 @!p0 $0x0  }
0x1c: {  	s10 =	ssub.s32 s10, s11  }
0x1d: {  	s21 =	sshll.u32 s10, $0x7  }
0x1e: {  	s12 =	sand.u32 $0x1FFFFF80, s21  }
0x1f: {  	s11 =	simm.s32 $0x100;
	s10 =	simm.s32 $0x7A1400;
	s13 =	sadd.s32 s2, s12  }
0x20: {  	[tilespmem:s11], [sflag:$0x1] =	stream.strided.gather [hbm4b:s13+s9], $0x9400, s10, s9, $0x38;
	[tilespmem:$0x9B80] =	vst v63  }
0x21: {  	s12 =	simm.s32 $0x9500;
	s13 =	sadd.s32 $0x2349C80, s13  }
0x22: {  	[tilespmem:s12], [sflag:$0x1] =	stream.linear.gather [hbm4b:s13+s5], $0x200, $0x38;
	[tilespmem:$0x9B80] =	vst v63  }
0x23: {  	s14 =	simm.s32 $0x2;
	s13 =	simm.s32 $0x9900  }
0x24: {  	[tilespmem:s13], [sflag:$0x2] =	stream.linear.gather [hbm4b:s3+s5], $0x180, $0x38;
	[tilespmem:$0x9B80] =	vst v63  }
0x25: {  	_ =	swait.ge [sflag:s14], $0x180  }
0x26: {  	[sflag:s14] =	ssyncset.done $0x0  }
0x27: {  	s15 =	simm.s32 $0x9A80;
	[sflag:s14] =	ssyncadd.s32 $0xFFFFFE80  }
0x28: {  	v0 =	vlaneseq.u32;
	[tilespmem:s15], [sflag:$0x3] =	stream.linear.gather [hbm4b:s4+s5], $0x1, $0x38;
	[tilespmem:$0x9B80] =	vst v63  }
0x29: {  	v0 =	vmul.u32 $0x80, v0;
	_ =	swait.ge [sflag:s6], $0x1  }
0x2a: {  	s21 =	ssub.s32 s16, s21;
	[sflag:s6] =	ssyncset.done $0x0  }
0x2b: {  	s16 =	simm.s32 $0x1;
	v4 =	vadd.s32 s21, v0;
	[sflag:s6] =	ssyncadd.s32 $0xFFFFFFFF  }
0x2c: {  	v1 =	vor.u32 $0x800, v0;
	_ =	swait.ge [sflag:s16], $0x9600  }
0x2d: {  	v2 =	vor.u32 $0x1000, v0;
	v5 =	vadd.s32 s21, v1;
	[sflag:s16] =	ssyncset.done $0x0  }
0x2e: {  	v6 =	vadd.s32 s21, v2;
	[sflag:s16] =	ssyncadd.s32 $0xFFFF6A00  }
0x2f: {  	v3 =	vor.u32 $0x1800, v0;
	v7 =	vld [tilespmem:$0x9900]  }
0x30: {  	v8 =	vadd.s32 s21, v3;
	v9 =	vld.idx.msk [tilespmem:v4+s11+$0x0], $0xffff  }
0x31: {  	v10 =	vld [tilespmem:$0x9910]  }
0x32: {  	v4 =	vor.u32 $0x2000, v0;
	v11 =	vld.idx.msk [tilespmem:v5+s11+$0x0], $0xffff  }
0x33: {  	v5 =	vor.u32 $0x2800, v0;
	v13 =	vld.idx.msk [tilespmem:v6+s11+$0x0], $0xffff;
	v12 =	vadd.s32 s21, v4  }
0x34: {  	v14 =	vld [tilespmem:$0x9920];
	v15 =	vadd.s32 s21, v5  }
0x35: {  	v6 =	vor.u32 $0x3000, v0;
	v16 =	vld.idx.msk [tilespmem:v8+s11+$0x0], $0xffff  }
0x36: {  	v17 =	vld [tilespmem:$0x9930];
	v18 =	vadd.s32 s21, v6;
	v8 =	vmul.f32 v7, v9  }
0x37: {  	v9 =	vmul.f32 v10, v11;
	v11 =	vld [tilespmem:$0x9940]  }
0x38: {  	v7 =	vor.u32 $0x3800, v0;
	v12 =	vld.idx.msk [tilespmem:v12+s11+$0x0], $0xffff;
	v10 =	vadd.f32 $0.0e+00, v8  }
0x39: {  	v13 =	vmul.f32 v14, v13;
	v19 =	vadd.s32 s21, v7;
	v14 =	vld.idx.msk [tilespmem:v15+s11+$0x0], $0xffff  }
0x3a: {  	v15 =	vld [tilespmem:$0x9950];
	v8 =	vor.u32 $0x4000, v0;
	v10 =	vadd.f32 v9, v10  }
0x3b: {  	v16 =	vmul.f32 v17, v16;
	v17 =	vld.idx.msk [tilespmem:v18+s11+$0x0], $0xffff;
	v20 =	vadd.s32 s21, v8  }
0x3c: {  	v18 =	vld [tilespmem:$0x9960];
	v9 =	vor.u32 $0x4800, v0;
	v13 =	vadd.f32 v13, v10  }
0x3d: {  	v21 =	vadd.s32 s21, v9  }
0x3e: {  	v10 =	vor.u32 $0x5000, v0;
	v12 =	vmul.f32 v11, v12;
	v19 =	vld.idx.msk [tilespmem:v19+s11+$0x0], $0xffff;
	v13 =	vadd.f32 v16, v13  }
0x3f: {  	v22 =	vadd.s32 s21, v10;
	v16 =	vld [tilespmem:$0x9970]  }
0x40: {  	v14 =	vmul.f32 v15, v14;
	v15 =	vld.idx.msk [tilespmem:v20+s11+$0x0], $0xffff;
	v13 =	vadd.f32 v12, v13  }
0x41: {  	v11 =	vor.u32 $0x5800, v0;
	v17 =	vmul.f32 v18, v17;
	v20 =	vld [tilespmem:$0x9980]  }
0x42: {  	v23 =	vadd.s32 s21, v11;
	v12 =	vor.u32 $0x6000, v0;
	v18 =	vld.idx.msk [tilespmem:v21+s11+$0x0], $0xffff;
	v14 =	vadd.f32 v14, v13  }
0x43: {  	v21 =	vld [tilespmem:$0x9990];
	v24 =	vadd.s32 s21, v12  }
0x44: {  	v13 =	vor.u32 $0x6800, v0;
	v16 =	vmul.f32 v16, v19;
	v19 =	vld.idx.msk [tilespmem:v22+s11+$0x0], $0xffff;
	v17 =	vadd.f32 v17, v14  }
0x45: {  	v22 =	vld [tilespmem:$0x99A0];
	v25 =	vadd.s32 s21, v13  }
0x46: {  	v26 =	vld [tilespmem:$0x99B0];
	v20 =	vmul.f32 v20, v15;
	v14 =	vor.u32 $0x7000, v0;
	v16 =	vadd.f32 v16, v17  }
0x47: {  	v23 =	vld.idx.msk [tilespmem:v23+s11+$0x0], $0xffff;
	v27 =	vadd.s32 s21, v14  }
0x48: {  	v15 =	vor.u32 $0x7800, v0;
	v17 =	vmul.f32 v21, v18;
	v18 =	vld.idx.msk [tilespmem:v24+s11+$0x0], $0xffff;
	v20 =	vadd.f32 v20, v16  }
0x49: {  	v47 =	vadd.s32 s21, v15;
	v21 =	vld [tilespmem:$0x99C0]  }
0x4a: {  	v48 =	vld [tilespmem:$0x99D0];
	v16 =	vor.u32 $0x8000, v0;
	v19 =	vmul.f32 v22, v19;
	v20 =	vadd.f32 v17, v20  }
0x4b: {  	v22 =	vld.idx.msk [tilespmem:v25+s11+$0x0], $0xffff;
	v28 =	vadd.s32 s21, v16  }
0x4c: {  	v23 =	vmul.f32 v26, v23;
	v17 =	vor.u32 $0x8800, v0;
	v49 =	vld.idx.msk [tilespmem:v27+s11+$0x0], $0xffff;
	v19 =	vadd.f32 v19, v20  }
0x4d: {  	v50 =	vadd.s32 s21, v17;
	v20 =	vld [tilespmem:$0x99E0]  }
0x4e: {  	v24 =	vld.idx.msk [tilespmem:v47+s11+$0x0], $0xffff;
	v21 =	vmul.f32 v21, v18;
	v19 =	vadd.f32 v23, v19  }
0x4f: {  	v18 =	vadd.s32 $0x8E00, v0;
	v23 =	vld [tilespmem:$0x99F0]  }
0x50: {  	v29 =	vadd.s32 s21, v18;
	v22 =	vmul.f32 v48, v22;
	v51 =	vld.idx.msk [tilespmem:v28+s11+$0x0], $0xffff;
	v19 =	vadd.f32 v21, v19  }
0x51: {  	v21 =	vld [tilespmem:$0x9A00]  }
0x52: {  	v52 =	vld.idx.msk [tilespmem:v50+s11+$0x0], $0xffff;
	v20 =	vmul.f32 v20, v49;
	v19 =	vadd.f32 v22, v19  }
0x53: {  	v22 =	vld [tilespmem:$0x9A10]  }
0x54: {  	v54 =	vld [tilespmem:$0x9A1C];
	v23 =	vmul.f32 v23, v24;
	v19 =	vadd.f32 v20, v19  }
0x55: {  	v53 =	vimm.s32 $0x76543210;
	v55 =	vld.idx.msk [tilespmem:v29+s11+$0x0], $0xffff  }
0x56: {  	v56 =	vimm.s32 $0xFEDCBA98;
	v21 =	vmul.f32 v21, v51;
	v19 =	vadd.f32 v23, v19  }
0x57: {  	v20 =	vunpack.c.l.s4.s8 v53;
	v23 =	vunpack.c.l.s4.s8 v56  }
0x58: {  	vm0 =	vmmov $0xf;
	v22 =	vmul.f32 v22, v52;
	v19 =	vadd.f32 v21, v19  }
0x59: {  	v24 =	vsel vm0, $0x0, v54;
	v20 =	vunpack.c.0.s8.s32 v20;
	v21 =	vunpack.c.0.s8.s32 v23  }
0x5a: {  	v24 =	vmul.f32 v24, v55;
	v23 =	vimm.s32 $0xBA98FEDC;
	v22 =	vadd.f32 v22, v19  }
0x5b: {  	v57 =	vimm.s32 $0x32107654;
	v19 =	vand.u32 $0xF, v21;
	v21 =	vunpack.c.l.s4.s8 v23  }
0x5c: {  	v23 =	vunpack.c.l.s4.s8 v57;
	v19 =	vcombine.low v19, v20;
	v22 =	vadd.f32 v24, v22  }
0x5d: {  	v58 =	vimm.s32 $0x54761032;
	v20 =	vunpack.c.0.s8.s32 v21  }
0x5e: {  	v21 =	vunpack.c.0.s8.s32 v23;
	v23 =	vimm.s32 $0xDCFE98BA;
	v59 =	vperm.xlane v22, v19  }
0x5f: {  	v24 =	vunpack.c.l.s4.s8 v58;
	v23 =	vunpack.c.l.s4.s8 v23  }
0x60: {  	v20 =	vcombine.low v21, v20;
	v22 =	vadd.f32 v22, v59  }
0x61: {  	v21 =	vunpack.c.0.s8.s32 v23;
	v23 =	vunpack.c.0.s8.s32 v24  }
0x62: {  	v60 =	vperm.xlane v22, v20  }
0x63: {  	v61 =	vimm.s32 $0x67452301;
	v21 =	vcombine.low v23, v21;
	v23 =	vimm.s32 $0xEFCDAB89  }
0x64: {  	v25 =	vunpack.c.l.s4.s8 v61;
	v23 =	vunpack.c.l.s4.s8 v23;
	v24 =	vadd.f32 v22, v60;
	_ =	sdelay $0x1  }
0x65: {  	v22 =	vunpack.c.0.s8.s32 v23;
	v23 =	vunpack.c.0.s8.s32 v25;
	v62 =	vperm.xlane v24, v21;
	_ =	sdelay $0x1  }
0x66: {  	v22 =	vcombine.low v23, v22;
	v23 =	vadd.f32 v24, v62  }
0x67: {  	v63 =	vld.msk [tilespmem:$0x9A80 ss:$0x0], $0xffff  }
0x68: {  	v25 =	vperm.xlane v23, v22;
	_ =	sdelay $0x1  }
0x69: {  	v23 =	vadd.f32 v23, v25;
	_ =	sdelay $0x1  }
0x6a: {  	v23 =	vadd.f32 v23, v63;
	_ =	sdelay $0x1  }
0x6b: {  	v23 =	vsub.f32 $0.0e+00, v23;
	_ =	sdelay $0x1  }
0x6c: {  	v23 =	vmul.f32 $1.442695020e+00, v23;
	_ =	sdelay $0x1  }
0x6d: {  	(erf) = vpow2.f32 v23;
	_ =	sdelay $0x8  }
0x6e: {  	v23 =	vpop (erf)  }
0x6f: {  	v23 =	vadd.f32 $1.000000000e+00, v23;
	_ =	sdelay $0x1  }
0x70: {  	(erf) = vrcp.f32 v23;
	_ =	sdelay $0x1  }
0x71: {  	s18 =	ssub.s32 $0x2, s18  }
0x72: {  	s30 =	sshrl.u32 s18, $0x1  }
0x73: {  	s18 =	ssub.s32 s18, s30  }
0x74: {  	s31 =	smax.u32 s18, $0x1  }
0x75: {  	p0 =	sne.s32 s31, $0x1  }
.Ltmp1:
0x76: {  	s19 =	sshll.u32 s19, $0xA;
	(pc) =	sbr.rel @!p0 .LBB2_3-.Ltmp1, $4  }
0x77: {  	s19 =	sor.u32 s20, s19  }
0x78: {  	s19 =	sshrl.u32 s19, $0x3;
	v23 =	vpop (erf)  }
0x79: {  	s18 =	simm.s32 $0x9B00;
	s17 =	sadd.s32 s17, s19;
	s19 =	sadd.s32 $0xFFFFFFFF, s31;
	[tilespmem:$0x9B00] =	vst v23  }
0x7a: {  	[hbm4b:s17+s5] =	stream.linear.scatter [tilespmem:s18], [sflag:$0x3], $0x80, $0x38;
	[tilespmem:$0x9B80] =	vst v63  }
.LBB2_2:
0x7b: {  	p0 =	sne.s32 s19, $0x1;
	s19 =	sadd.s32 $0xFFFFFFFF, s19;
	_ =	swait.ge [sflag:s6], $0x80  }
0x7c: {  	[sflag:s6] =	ssyncset.done $0x0  }
0x7d: {  	[sflag:s6] =	ssyncadd.s32 $0xFFFFFF80  }
0x7e: {  	[tilespmem:s5], [sflag:$0x3] =	stream.strided.gather [hbm4b:s7+s8], $0x100, s9, s8, $0x38;
	[tilespmem:$0x9B80] =	vst v63  }
0x7f: {  	_ =	swait.ge [sflag:s6], $0x100  }
0x80: {  	[sflag:s6] =	ssyncset.done $0x0  }
0x81: {  	[sflag:s6] =	ssyncadd.s32 $0xFFFFFF00  }
0x82: {  	v23 =	vld [tilespmem:$0xB8];
	_ =	sdelay $0x4  }
0x83: {  	(v2sf) =	vpush v23, $0xF;
	_ =	sdelay $0xe  }
0x84: {  	s20 =	spop (v2sf)  }
0x85: {  	s21 =	sshra.s32 s20, $0x1F;
	s22 =	sand.u32 $0x7F, s20  }
0x86: {  	p1 =	slt.s32 s20, $0x1;
	s21 =	sshrl.u32 s21, $0x19;
	p2 =	sne.s32 s22, $0x0  }
0x87: {  	s21 =	sadd.s32 s21, s20;
	p1 =	por !p1, !p2  }
0x88: {  	s22 =	simm.s32 $0x1;
	p1 =	por !p1, !p1  }
0x89: {  	s21 =	sshrl.u32 s21, $0x7;
	s22 =	simm.s32 @!p1 $0x0  }
0x8a: {  	s21 =	ssub.s32 s21, s22  }
0x8b: {  	s21 =	sshll.u32 s21, $0x7  }
0x8c: {  	s20 =	ssub.s32 s20, s21;
	s21 =	sand.u32 $0x1FFFFF80, s21  }
0x8d: {  	s21 =	sadd.s32 s2, s21  }
0x8e: {  	[tilespmem:s11], [sflag:$0x1] =	stream.strided.gather [hbm4b:s21+s9], $0x9400, s10, s9, $0x38;
	[tilespmem:$0x9B80] =	vst v63  }
0x8f: {  	s21 =	sadd.s32 $0x2349C80, s21  }
0x90: {  	[tilespmem:s12], [sflag:$0x1] =	stream.linear.gather [hbm4b:s21+s5], $0x200, $0x38;
	[tilespmem:$0x9B80] =	vst v63  }
0x91: {  	_ = 	snop  }
0x92: {  	[tilespmem:s13], [sflag:$0x2] =	stream.linear.gather [hbm4b:s3+s5], $0x180, $0x38;
	[tilespmem:$0x9B80] =	vst v63  }
0x93: {  	_ =	swait.ge [sflag:s14], $0x180  }
0x94: {  	[sflag:s14] =	ssyncset.done $0x0  }
0x95: {  	[sflag:s14] =	ssyncadd.s32 $0xFFFFFE80  }
0x96: {  	[tilespmem:s15], [sflag:$0x3] =	stream.linear.gather [hbm4b:s4+s5], $0x1, $0x38;
	[tilespmem:$0x9B80] =	vst v63  }
0x97: {  	_ =	swait.ge [sflag:s6], $0x1  }
0x98: {  	v23 =	vadd.s32 s20, v0;
	[sflag:s6] =	ssyncset.done $0x0  }
0x99: {  	[sflag:s6] =	ssyncadd.s32 $0xFFFFFFFF  }
0x9a: {  	v24 =	vadd.s32 s20, v1;
	_ =	swait.ge [sflag:s16], $0x9600  }
0x9b: {  	[sflag:s16] =	ssyncset.done $0x0  }
0x9c: {  	v25 =	vadd.s32 s20, v2;
	[sflag:s16] =	ssyncadd.s32 $0xFFFF6A00  }
0x9d: {  	v26 =	vld [tilespmem:$0x9910]  }
0x9e: {  	v28 =	vadd.s32 s20, v3;
	v27 =	vld [tilespmem:$0x9900]  }
0x9f: {  	v23 =	vld.idx.msk [tilespmem:v23+s11+$0x0], $0xffff  }
0xa0: {  	v29 =	vadd.s32 s20, v4;
	v24 =	vld.idx.msk [tilespmem:v24+s11+$0x0], $0xffff  }
0xa1: {  	v25 =	vld.idx.msk [tilespmem:v25+s11+$0x0], $0xffff  }
0xa2: {  	v31 =	vadd.s32 s20, v5;
	v30 =	vld [tilespmem:$0x9920]  }
0xa3: {  	v28 =	vld.idx.msk [tilespmem:v28+s11+$0x0], $0xffff  }
0xa4: {  	v33 =	vadd.s32 s20, v6;
	v32 =	vld [tilespmem:$0x9930]  }
0xa5: {  	v23 =	vmul.f32 v27, v23;
	v27 =	vld.idx.msk [tilespmem:v29+s11+$0x0], $0xffff  }
0xa6: {  	v24 =	vmul.f32 v26, v24;
	v29 =	vadd.s32 s20, v7;
	v26 =	vld [tilespmem:$0x9940]  }
0xa7: {  	v23 =	vadd.f32 $0.0e+00, v23;
	v25 =	vmul.f32 v30, v25;
	v30 =	vld.idx.msk [tilespmem:v31+s11+$0x0], $0xffff  }
0xa8: {  	v34 =	vadd.s32 s20, v8;
	v31 =	vld [tilespmem:$0x9950]  }
0xa9: {  	v23 =	vadd.f32 v24, v23;
	v24 =	vmul.f32 v32, v28;
	v28 =	vld.idx.msk [tilespmem:v33+s11+$0x0], $0xffff  }
0xaa: {  	v33 =	vadd.s32 s20, v9;
	v32 =	vld [tilespmem:$0x9960]  }
0xab: {  	v23 =	vadd.f32 v25, v23;
	v25 =	vmul.f32 v26, v27;
	v26 =	vld.idx.msk [tilespmem:v29+s11+$0x0], $0xffff  }
0xac: {  	v29 =	vadd.s32 s20, v10;
	v27 =	vld [tilespmem:$0x9970]  }
0xad: {  	v23 =	vadd.f32 v24, v23;
	v24 =	vmul.f32 v31, v30;
	v30 =	vld.idx.msk [tilespmem:v34+s11+$0x0], $0xffff  }
0xae: {  	v34 =	vadd.s32 s20, v11;
	v31 =	vld [tilespmem:$0x9980]  }
0xaf: {  	v23 =	vadd.f32 v25, v23;
	v25 =	vmul.f32 v32, v28;
	v28 =	vld.idx.msk [tilespmem:v33+s11+$0x0], $0xffff  }
0xb0: {  	v33 =	vadd.s32 s20, v12;
	v32 =	vld [tilespmem:$0x9990]  }
0xb1: {  	v23 =	vadd.f32 v24, v23;
	v24 =	vmul.f32 v27, v26;
	v26 =	vld.idx.msk [tilespmem:v29+s11+$0x0], $0xffff  }
0xb2: {  	v29 =	vadd.s32 s20, v13;
	v27 =	vld [tilespmem:$0x99A0]  }
0xb3: {  	v23 =	vadd.f32 v25, v23;
	v25 =	vmul.f32 v31, v30;
	v30 =	vld.idx.msk [tilespmem:v34+s11+$0x0], $0xffff  }
0xb4: {  	v34 =	vadd.s32 s20, v14;
	v31 =	vld [tilespmem:$0x99B0]  }
0xb5: {  	v23 =	vadd.f32 v24, v23;
	v24 =	vmul.f32 v32, v28;
	v28 =	vld.idx.msk [tilespmem:v33+s11+$0x0], $0xffff  }
0xb6: {  	v33 =	vadd.s32 s20, v15;
	v32 =	vld [tilespmem:$0x99C0]  }
0xb7: {  	v23 =	vadd.f32 v25, v23;
	v25 =	vmul.f32 v27, v26;
	v26 =	vld.idx.msk [tilespmem:v29+s11+$0x0], $0xffff  }
0xb8: {  	v29 =	vadd.s32 s20, v16;
	v27 =	vld [tilespmem:$0x99D0]  }
0xb9: {  	v23 =	vadd.f32 v24, v23;
	v24 =	vmul.f32 v31, v30;
	v30 =	vld.idx.msk [tilespmem:v34+s11+$0x0], $0xffff  }
0xba: {  	v34 =	vadd.s32 s20, v17;
	v31 =	vld [tilespmem:$0x99E0]  }
0xbb: {  	v23 =	vadd.f32 v25, v23;
	v25 =	vmul.f32 v32, v28;
	v28 =	vld.idx.msk [tilespmem:v33+s11+$0x0], $0xffff  }
0xbc: {  	v33 =	vadd.s32 s20, v18;
	v32 =	vld [tilespmem:$0x99F0]  }
0xbd: {  	v23 =	vadd.f32 v24, v23;
	v24 =	vmul.f32 v27, v26;
	v26 =	vld.idx.msk [tilespmem:v29+s11+$0x0], $0xffff  }
0xbe: {  	v27 =	vld [tilespmem:$0x9A00]  }
0xbf: {  	v23 =	vadd.f32 v25, v23;
	v25 =	vmul.f32 v31, v30;
	v29 =	vld.idx.msk [tilespmem:v34+s11+$0x0], $0xffff  }
0xc0: {  	v30 =	vld [tilespmem:$0x9A10]  }
0xc1: {  	v23 =	vadd.f32 v24, v23;
	v24 =	vmul.f32 v32, v28;
	v28 =	vld.idx.msk [tilespmem:v33+s11+$0x0], $0xffff  }
0xc2: {  	v31 =	vld [tilespmem:$0x9A1C]  }
0xc3: {  	v23 =	vadd.f32 v25, v23;
	v25 =	vmul.f32 v27, v26;
	_ =	sdelay $0x1  }
0xc4: {  	v23 =	vadd.f32 v24, v23;
	v24 =	vmul.f32 v30, v29;
	_ =	sdelay $0x1  }
0xc5: {  	v23 =	vadd.f32 v25, v23;
	v25 =	vsel vm0, $0x0, v31  }
0xc6: {  	v25 =	vmul.f32 v25, v28  }
0xc7: {  	v23 =	vadd.f32 v24, v23;
	_ =	sdelay $0x1  }
0xc8: {  	v23 =	vadd.f32 v25, v23;
	_ =	sdelay $0x1  }
0xc9: {  	v24 =	vperm.xlane v23, v19;
	_ =	sdelay $0x1  }
0xca: {  	v23 =	vadd.f32 v23, v24;
	_ =	sdelay $0x1  }
0xcb: {  	v24 =	vperm.xlane v23, v20;
	_ =	sdelay $0x1  }
0xcc: {  	v23 =	vadd.f32 v23, v24;
	_ =	sdelay $0x1  }
0xcd: {  	v24 =	vperm.xlane v23, v21  }
0xce: {  	v25 =	vld.msk [tilespmem:$0x9A80 ss:$0x0], $0xffff  }
0xcf: {  	v23 =	vadd.f32 v23, v24;
	_ =	sdelay $0x1  }
0xd0: {  	v24 =	vperm.xlane v23, v22;
	_ =	sdelay $0x1  }
0xd1: {  	v23 =	vadd.f32 v23, v24;
	_ =	sdelay $0x1  }
0xd2: {  	v23 =	vadd.f32 v23, v25;
	_ =	sdelay $0x1  }
0xd3: {  	v23 =	vsub.f32 $0.0e+00, v23;
	_ =	sdelay $0x1  }
0xd4: {  	v23 =	vmul.f32 $1.442695020e+00, v23;
	_ =	sdelay $0x1  }
0xd5: {  	(erf) = vpow2.f32 v23;
	_ =	sdelay $0x8  }
0xd6: {  	v23 =	vpop (erf)  }
0xd7: {  	v23 =	vadd.f32 $1.000000000e+00, v23;
	_ =	sdelay $0x1  }
0xd8: {  	(erf) = vrcp.f32 v23;
	_ =	sdelay $0x6  }
.Ltmp2:
0xd9: {  	(pc) =	sbr.rel @p0 .LBB2_2-.Ltmp2, $4  }
0xda: {  	_ = 	snop  }
0xdb: {  	v23 =	vpop (erf)  }
0xdc: {  	[tilespmem:$0x9B00] =	vst v23  }
0xdd: {  	[hbm4b:s17+s5] =	stream.linear.scatter [tilespmem:s18], [sflag:$0x3], $0x80, $0x38;
	[tilespmem:$0x9B80] =	vst v63  }
.LBB2_3:
0xde: {  	_ =	swait.ge [sflag:s6], $0x80  }
0xdf: {  	[sflag:s6] =	ssyncset.done $0x0  }
0xe0: {  	[sflag:s6] =	ssyncadd.s32 $0xFFFFFF80  }
.LBB2_4:
0xe1: {  	_ =	sfence.sel $0x180000  }
0xe2: {  	[bflag:$0x0] =	sbarrier.arrive $0xFFFF  }
0xe3: {  	p0 =	sne.s32 s1, $0x0;
	_ =	strace $0x90000047  }
0xe4: {  	s0 =	sadd.s32 @!p0 $0x100000, s0;
	[bflag:$0x2] =	sbarrier.arrive $0xFFFF  }
0xe5: {  	[sflag:s0] =	ssyncadd.tile.s32 @!p0 $0x1;
	_ =	shalt  }
.Lfunc_end2:
_tile_overlayer_lowered:
.L_overlay_start_2:
0xe6: {  	(tag) =	ssettag $0x2  }
0xe7: {  	s0 =	rddreg [dreg:$0x0];
	s2 =	stileid.u32  }
0xe8: {  	s1 =	rddreg [dreg:$0x1];
	p0 =	sne.s32 s2, $0x0  }
0xe9: {  	s3 =	rddreg [dreg:$0x2];
	[bflag:$0x3] =	sbarrier.arrive $0xFFFF;
	s2 =	simm.s32 @!p0 $0x1C03  }
0xea: {  	[timem:s3], [sflag:s2] =	dma.local @!p0 [hbm:s0], s1  }
0xeb: {  	s0 =	simm.s32 @!p0 $0x3  }
0xec: {  	_ =	swait.ge @!p0 [sflag:s0], s1  }
0xed: {  	s1 =	ssub.s32 @!p0 $0x0, s1;
	[sflag:s0] =	ssyncset.done @!p0 $0x0  }
0xee: {  	[sflag:s0] =	ssyncadd.s32 @!p0 s1  }
0xef: {  	[bflag:$0x3] =	sbarrier.arrive $0xFFFF  }
0xf0: {  	_ =	shalt  }

</sc_bundles>
